<compile_context>
chip_gen: v7x
topology: tpu7x:2x2x1
jax: 0.10.2.dev20260603
libtpu: 0.0.44.dev20260713+nightly
codegen_flags: <defaults>
</compile_context>

<pallas_src>
import functools

import jax
import jax.numpy as jnp
from jax import lax
from jax.experimental import pallas as pl
from jax.experimental.pallas import tpu as pltpu
from jax.experimental.pallas import tpu_sc as plsc

F = 26
V = 100000
K = 16
B = 4096
BF = B * F

NC = 2
NS = 16
NW = NC * NS
RPW = BF // NW
EPW = RPW * K
NCH = 4
CH = EPW // NCH


def _sc_gather_body(eidx_hbm, rid_hbm, emb_hbm, lin_hbm, emb_out, lin_out,
                    eidx_v, vals_v, rid_v, lin_v, sem):
    wid = lax.axis_index("s") * NC + lax.axis_index("c")
    ebase = pl.multiple_of(wid * EPW, EPW)
    for c in range(NCH):
        off = ebase + c * CH
        pltpu.sync_copy(eidx_hbm.at[pl.ds(off, CH)], eidx_v)
        pltpu.async_copy(emb_hbm.at[eidx_v], vals_v, sem).wait()
        pltpu.sync_copy(vals_v, emb_out.at[pl.ds(off, CH)])
    rbase = pl.multiple_of(wid * RPW, RPW)
    pltpu.sync_copy(rid_hbm.at[pl.ds(rbase, RPW)], rid_v)
    pltpu.async_copy(lin_hbm.at[rid_v], lin_v, sem).wait()
    pltpu.sync_copy(lin_v, lin_out.at[pl.ds(rbase, RPW)])


@functools.cache
def _sc_gather():
    return pl.kernel(
        _sc_gather_body,
        out_type=(
            jax.ShapeDtypeStruct((BF * K,), jnp.float32),
            jax.ShapeDtypeStruct((BF,), jnp.float32),
        ),
        mesh=plsc.VectorSubcoreMesh(core_axis_name="c", subcore_axis_name="s"),
        scratch_types=[
            pltpu.VMEM((CH,), jnp.int32),
            pltpu.VMEM((CH,), jnp.float32),
            pltpu.VMEM((RPW,), jnp.int32),
            pltpu.VMEM((RPW,), jnp.float32),
            pltpu.SemaphoreType.DMA,
        ],
    )


def _tc_dense_body(flat_ref, lin_ref, linb_ref, w1_ref, b1_ref, w2_ref,
                   b2_ref, w3_ref, b3_ref, out_ref):
    x = flat_ref[...]
    s = x[:, 0:K]
    for f in range(1, F):
        s = s + x[:, f * K:(f + 1) * K]
    sum_of_square = jnp.sum(s * s)
    square_of_sum = jnp.sum(x * x)
    interaction = 0.5 * (sum_of_square - square_of_sum)
    lin = lin_ref[...]
    line_out = jnp.sum(lin, axis=1, keepdims=True) + linb_ref[...]
    h = jnp.dot(x, w1_ref[...], preferred_element_type=jnp.float32)
    h = jnp.maximum(h + b1_ref[...], 0.0)
    h = jnp.dot(h, w2_ref[...], preferred_element_type=jnp.float32)
    h = jnp.maximum(h + b2_ref[...], 0.0)
    fnn = jnp.dot(h, w3_ref[...], preferred_element_type=jnp.float32)
    fnn = fnn + b3_ref[...]
    out_ref[...] = fnn + line_out + interaction


_tc_dense = pl.pallas_call(
    _tc_dense_body,
    out_shape=jax.ShapeDtypeStruct((B, 1), jnp.float32),
)


def kernel(inputs, emb_table, lin_table, lin_bias, W1, b1, W2, b2, W3, b3):
    rid = (inputs + jnp.arange(F, dtype=jnp.int32)[None, :] * V).reshape(BF)
    eidx = (rid[:, None] * K + jnp.arange(K, dtype=jnp.int32)[None, :]
            ).reshape(BF * K)
    emb1d = emb_table.reshape(F * V * K)
    lin1d = lin_table.reshape(F * V)
    emb_vals, lin_vals = _sc_gather()(eidx, rid, emb1d, lin1d)
    flat = emb_vals.reshape(B, F * K)
    lin_bf = lin_vals.reshape(B, F)
    return _tc_dense(flat, lin_bf, lin_bias, W1, b1, W2, b2, W3, b3)

# --- scband reference (transcript-rebuilt; emitter-appended) ---
"""Pipeline reference for scband-deep-fm-10849087389713 (READ-ONLY COPY).

The authoritative reference and input builder live on the scoring server;
editing this copy changes nothing except your own understanding.
"""

import jax, jax.numpy as jnp
import numpy as np

F = 26      # n_sparse_fields
V = 100000  # cardinality per field
K = 16      # factor_dim
B = 4096    # batch
H1, H2, HOUT = 400, 400, 1


def setup_inputs(seed: int = 0) -> dict:
    key = jax.random.key(seed)
    ks = jax.random.split(key, 10)
    inputs = jax.random.randint(ks[0], (B, F), 0, V, dtype=jnp.int32)
    emb_table = jax.random.normal(ks[1], (F, V, K), dtype=jnp.float32) * 0.01
    lin_table = jax.random.normal(ks[2], (F, V, 1), dtype=jnp.float32) * 0.01
    lin_bias = jnp.zeros((1,), dtype=jnp.float32)
    d0 = F * K
    W1 = jax.random.normal(ks[3], (d0, H1), dtype=jnp.float32) * (1.0 / np.sqrt(d0))
    b1 = jnp.zeros((H1,), dtype=jnp.float32)
    W2 = jax.random.normal(ks[4], (H1, H2), dtype=jnp.float32) * (1.0 / np.sqrt(H1))
    b2 = jnp.zeros((H2,), dtype=jnp.float32)
    W3 = jax.random.normal(ks[5], (H2, HOUT), dtype=jnp.float32) * (1.0 / np.sqrt(H2))
    b3 = jnp.zeros((HOUT,), dtype=jnp.float32)
    return {"inputs": inputs, "emb_table": emb_table, "lin_table": lin_table,
            "lin_bias": lin_bias, "W1": W1, "b1": b1, "W2": W2, "b2": b2,
            "W3": W3, "b3": b3}


def reference(inputs, emb_table, lin_table, lin_bias, W1, b1, W2, b2, W3, b3):
    f_idx = jnp.arange(F)[None, :]  # [1, F] broadcast against [B, F]
    # LinearModel: per-field scalar embedding lookup, summed over fields + bias
    lin = lin_table[f_idx, inputs]            # [B, F, 1] gather
    line_out = jnp.sum(lin, axis=1) + lin_bias  # [B, 1]
    # EmbedModel: per-field factor embedding lookup
    factor = emb_table[f_idx, inputs]         # [B, F, K] gather
    # FM second-order interaction (note: tf.reduce_sum with no axis -> scalar)
    sum_of_square = jnp.sum(factor, axis=1) ** 2       # [B, K]
    square_of_sum = jnp.sum(factor ** 2, axis=1)       # [B, K]
    interaction_out = 0.5 * jnp.sum(sum_of_square - square_of_sum)  # scalar
    fm_out = line_out + interaction_out       # [B, 1] (scalar broadcast)
    # Deep part: flatten (channels_first flatten of [B, F, K] -> [B, F*K])
    flat = factor.reshape(B, F * K)
    h = jax.nn.relu(flat @ W1 + b1)
    h = jax.nn.relu(h @ W2 + b2)
    fnn_out = h @ W3 + b3                     # [B, 1]
    return fm_out + fnn_out                   # [B, 1]

if __name__ == "__main__":
    import jax
    _d = setup_inputs()
    print(jax.jit(kernel)(*tuple(_d.values())))

</pallas_src>

<mosaic_0001>
#map = affine_map<(d0, d1) -> (0)>
module attributes {stable_mosaic.version = 14 : i64} {
  func.func @_sc_gather_body(%arg0: i32, %arg1: i32, %arg2: memref<1703936xi32, #tpu.memory_space<hbm>>, %arg3: memref<106496xi32, #tpu.memory_space<hbm>>, %arg4: memref<41600000xf32, #tpu.memory_space<hbm>>, %arg5: memref<2600000xf32, #tpu.memory_space<hbm>>, %arg6: memref<1703936xf32, #tpu.memory_space<hbm>>, %arg7: memref<106496xf32, #tpu.memory_space<hbm>>, %arg8: memref<13312xi32, #tpu.memory_space<vmem>>, %arg9: memref<13312xf32, #tpu.memory_space<vmem>>, %arg10: memref<3328xi32, #tpu.memory_space<vmem>>, %arg11: memref<3328xf32, #tpu.memory_space<vmem>>, %arg12: memref<!tpu.dma_semaphore, #tpu.memory_space<semaphore_mem>>) attributes {dimension_semantics = [#tpu.dimension_semantics<core_parallel>, #tpu.dimension_semantics<subcore_parallel>], iteration_bounds = array<i64: 2, 16>, scalar_prefetch = 0 : i64, scratch_operands = 5 : i64, tpu.core_type = #tpu.core_type<sc_vector_subcore>, window_params = [{transform_indices = #map}, {transform_indices = #map}, {transform_indices = #map}, {transform_indices = #map}, {transform_indices = #map}, {transform_indices = #map}]} {
    %mul3A = arith.constant 2 : i32
    %mul3A_0 = arith.muli %arg1, %mul3A : i32
    %add3A = arith.addi %mul3A_0, %arg0 : i32
    %mul3A_1 = arith.constant 53248 : i32
    %mul3A_2 = arith.muli %add3A, %mul3A_1 : i32
    %multiple_of3A = tpu.assume_multiple %mul3A_2, 53248 : i32
    %add3A_3 = arith.constant 0 : i32
    %add3A_4 = arith.addi %multiple_of3A, %add3A_3 : i32
    "tpu.region"() ({
      %run_scoped3A = tpu.sem_alloc : memref<!tpu.dma_semaphore, #tpu.memory_space<semaphore_mem>>
      %dma_start3A_32 = tpu.memref_slice %arg2[%add3A_4] : memref<1703936xi32, #tpu.memory_space<hbm>> -> memref<13312xi32, #tpu.memory_space<hbm>>
      %dma_start3A_33 = tpu.memref_slice %arg2[%add3A_4] : memref<1703936xi32, #tpu.memory_space<hbm>> -> memref<13312xi32, #tpu.memory_space<hbm>>
      tpu.enqueue_dma source(%dma_start3A_33 : memref<13312xi32, #tpu.memory_space<hbm>>) target(%arg8 : memref<13312xi32, #tpu.memory_space<vmem>>) target_semaphore(%run_scoped3A : memref<!tpu.dma_semaphore, #tpu.memory_space<semaphore_mem>>)
      %dma_wait3A_34 = tpu.memref_slice %arg2[%add3A_4] : memref<1703936xi32, #tpu.memory_space<hbm>> -> memref<13312xi32, #tpu.memory_space<hbm>>
      %dma_wait3A_35 = tpu.memref_slice %arg2[%add3A_4] : memref<1703936xi32, #tpu.memory_space<hbm>> -> memref<13312xi32, #tpu.memory_space<hbm>>
      tpu.wait_dma2 semaphore(%run_scoped3A : memref<!tpu.dma_semaphore, #tpu.memory_space<semaphore_mem>>) src(%dma_wait3A_35 : memref<13312xi32, #tpu.memory_space<hbm>>) dst(%arg8 : memref<13312xi32, #tpu.memory_space<vmem>>)
      tpu.yield
    }) : () -> ()
    %dma_start3A = arith.constant 0 : i32
    %dma_start3A_5 = tpu.memref_slice %arg4[%dma_start3A] : memref<41600000xf32, #tpu.memory_space<hbm>> -> memref<41600000xf32, #tpu.memory_space<hbm>>
    tpu.enqueue_indirect_dma source(%dma_start3A_5 : memref<41600000xf32, #tpu.memory_space<hbm>>) target(%arg9 : memref<13312xf32, #tpu.memory_space<vmem>>) offsets(%arg8 : memref<13312xi32, #tpu.memory_space<vmem>>) semaphore(%arg12 : memref<!tpu.dma_semaphore, #tpu.memory_space<semaphore_mem>>)
    %dma_wait3A = arith.constant 0 : i32
    %dma_wait3A_6 = tpu.memref_slice %arg4[%dma_wait3A] : memref<41600000xf32, #tpu.memory_space<hbm>> -> memref<41600000xf32, #tpu.memory_space<hbm>>
    tpu.wait_indirect_dma semaphore(%arg12 : memref<!tpu.dma_semaphore, #tpu.memory_space<semaphore_mem>>) src(%dma_wait3A_6 : memref<41600000xf32, #tpu.memory_space<hbm>>) dst(%arg9 : memref<13312xf32, #tpu.memory_space<vmem>>)
    "tpu.region"() ({
      %run_scoped3A = tpu.sem_alloc : memref<!tpu.dma_semaphore, #tpu.memory_space<semaphore_mem>>
      %dma_start3A_32 = tpu.memref_slice %arg6[%add3A_4] : memref<1703936xf32, #tpu.memory_space<hbm>> -> memref<13312xf32, #tpu.memory_space<hbm>>
      %dma_start3A_33 = tpu.memref_slice %arg6[%add3A_4] : memref<1703936xf32, #tpu.memory_space<hbm>> -> memref<13312xf32, #tpu.memory_space<hbm>>
      tpu.enqueue_dma source(%arg9 : memref<13312xf32, #tpu.memory_space<vmem>>) target(%dma_start3A_33 : memref<13312xf32, #tpu.memory_space<hbm>>) target_semaphore(%run_scoped3A : memref<!tpu.dma_semaphore, #tpu.memory_space<semaphore_mem>>)
      %dma_wait3A_34 = tpu.memref_slice %arg6[%add3A_4] : memref<1703936xf32, #tpu.memory_space<hbm>> -> memref<13312xf32, #tpu.memory_space<hbm>>
      %dma_wait3A_35 = tpu.memref_slice %arg6[%add3A_4] : memref<1703936xf32, #tpu.memory_space<hbm>> -> memref<13312xf32, #tpu.memory_space<hbm>>
      tpu.wait_dma2 semaphore(%run_scoped3A : memref<!tpu.dma_semaphore, #tpu.memory_space<semaphore_mem>>) src(%arg9 : memref<13312xf32, #tpu.memory_space<vmem>>) dst(%dma_wait3A_35 : memref<13312xf32, #tpu.memory_space<hbm>>)
      tpu.yield
    }) : () -> ()
    %add3A_7 = arith.constant 13312 : i32
    %add3A_8 = arith.addi %multiple_of3A, %add3A_7 : i32
    "tpu.region"() ({
      %run_scoped3A = tpu.sem_alloc : memref<!tpu.dma_semaphore, #tpu.memory_space<semaphore_mem>>
      %dma_start3A_32 = tpu.memref_slice %arg2[%add3A_8] : memref<1703936xi32, #tpu.memory_space<hbm>> -> memref<13312xi32, #tpu.memory_space<hbm>>
      %dma_start3A_33 = tpu.memref_slice %arg2[%add3A_8] : memref<1703936xi32, #tpu.memory_space<hbm>> -> memref<13312xi32, #tpu.memory_space<hbm>>
      tpu.enqueue_dma source(%dma_start3A_33 : memref<13312xi32, #tpu.memory_space<hbm>>) target(%arg8 : memref<13312xi32, #tpu.memory_space<vmem>>) target_semaphore(%run_scoped3A : memref<!tpu.dma_semaphore, #tpu.memory_space<semaphore_mem>>)
      %dma_wait3A_34 = tpu.memref_slice %arg2[%add3A_8] : memref<1703936xi32, #tpu.memory_space<hbm>> -> memref<13312xi32, #tpu.memory_space<hbm>>
      %dma_wait3A_35 = tpu.memref_slice %arg2[%add3A_8] : memref<1703936xi32, #tpu.memory_space<hbm>> -> memref<13312xi32, #tpu.memory_space<hbm>>
      tpu.wait_dma2 semaphore(%run_scoped3A : memref<!tpu.dma_semaphore, #tpu.memory_space<semaphore_mem>>) src(%dma_wait3A_35 : memref<13312xi32, #tpu.memory_space<hbm>>) dst(%arg8 : memref<13312xi32, #tpu.memory_space<vmem>>)
      tpu.yield
    }) : () -> ()
    %dma_start3A_9 = arith.constant 0 : i32
    %dma_start3A_10 = tpu.memref_slice %arg4[%dma_start3A_9] : memref<41600000xf32, #tpu.memory_space<hbm>> -> memref<41600000xf32, #tpu.memory_space<hbm>>
    tpu.enqueue_indirect_dma source(%dma_start3A_10 : memref<41600000xf32, #tpu.memory_space<hbm>>) target(%arg9 : memref<13312xf32, #tpu.memory_space<vmem>>) offsets(%arg8 : memref<13312xi32, #tpu.memory_space<vmem>>) semaphore(%arg12 : memref<!tpu.dma_semaphore, #tpu.memory_space<semaphore_mem>>)
    %dma_wait3A_11 = arith.constant 0 : i32
    %dma_wait3A_12 = tpu.memref_slice %arg4[%dma_wait3A_11] : memref<41600000xf32, #tpu.memory_space<hbm>> -> memref<41600000xf32, #tpu.memory_space<hbm>>
    tpu.wait_indirect_dma semaphore(%arg12 : memref<!tpu.dma_semaphore, #tpu.memory_space<semaphore_mem>>) src(%dma_wait3A_12 : memref<41600000xf32, #tpu.memory_space<hbm>>) dst(%arg9 : memref<13312xf32, #tpu.memory_space<vmem>>)
    "tpu.region"() ({
      %run_scoped3A = tpu.sem_alloc : memref<!tpu.dma_semaphore, #tpu.memory_space<semaphore_mem>>
      %dma_start3A_32 = tpu.memref_slice %arg6[%add3A_8] : memref<1703936xf32, #tpu.memory_space<hbm>> -> memref<13312xf32, #tpu.memory_space<hbm>>
      %dma_start3A_33 = tpu.memref_slice %arg6[%add3A_8] : memref<1703936xf32, #tpu.memory_space<hbm>> -> memref<13312xf32, #tpu.memory_space<hbm>>
      tpu.enqueue_dma source(%arg9 : memref<13312xf32, #tpu.memory_space<vmem>>) target(%dma_start3A_33 : memref<13312xf32, #tpu.memory_space<hbm>>) target_semaphore(%run_scoped3A : memref<!tpu.dma_semaphore, #tpu.memory_space<semaphore_mem>>)
      %dma_wait3A_34 = tpu.memref_slice %arg6[%add3A_8] : memref<1703936xf32, #tpu.memory_space<hbm>> -> memref<13312xf32, #tpu.memory_space<hbm>>
      %dma_wait3A_35 = tpu.memref_slice %arg6[%add3A_8] : memref<1703936xf32, #tpu.memory_space<hbm>> -> memref<13312xf32, #tpu.memory_space<hbm>>
      tpu.wait_dma2 semaphore(%run_scoped3A : memref<!tpu.dma_semaphore, #tpu.memory_space<semaphore_mem>>) src(%arg9 : memref<13312xf32, #tpu.memory_space<vmem>>) dst(%dma_wait3A_35 : memref<13312xf32, #tpu.memory_space<hbm>>)
      tpu.yield
    }) : () -> ()
    %add3A_13 = arith.constant 26624 : i32
    %add3A_14 = arith.addi %multiple_of3A, %add3A_13 : i32
    "tpu.region"() ({
      %run_scoped3A = tpu.sem_alloc : memref<!tpu.dma_semaphore, #tpu.memory_space<semaphore_mem>>
      %dma_start3A_32 = tpu.memref_slice %arg2[%add3A_14] : memref<1703936xi32, #tpu.memory_space<hbm>> -> memref<13312xi32, #tpu.memory_space<hbm>>
      %dma_start3A_33 = tpu.memref_slice %arg2[%add3A_14] : memref<1703936xi32, #tpu.memory_space<hbm>> -> memref<13312xi32, #tpu.memory_space<hbm>>
      tpu.enqueue_dma source(%dma_start3A_33 : memref<13312xi32, #tpu.memory_space<hbm>>) target(%arg8 : memref<13312xi32, #tpu.memory_space<vmem>>) target_semaphore(%run_scoped3A : memref<!tpu.dma_semaphore, #tpu.memory_space<semaphore_mem>>)
      %dma_wait3A_34 = tpu.memref_slice %arg2[%add3A_14] : memref<1703936xi32, #tpu.memory_space<hbm>> -> memref<13312xi32, #tpu.memory_space<hbm>>
      %dma_wait3A_35 = tpu.memref_slice %arg2[%add3A_14] : memref<1703936xi32, #tpu.memory_space<hbm>> -> memref<13312xi32, #tpu.memory_space<hbm>>
      tpu.wait_dma2 semaphore(%run_scoped3A : memref<!tpu.dma_semaphore, #tpu.memory_space<semaphore_mem>>) src(%dma_wait3A_35 : memref<13312xi32, #tpu.memory_space<hbm>>) dst(%arg8 : memref<13312xi32, #tpu.memory_space<vmem>>)
      tpu.yield
    }) : () -> ()
    %dma_start3A_15 = arith.constant 0 : i32
    %dma_start3A_16 = tpu.memref_slice %arg4[%dma_start3A_15] : memref<41600000xf32, #tpu.memory_space<hbm>> -> memref<41600000xf32, #tpu.memory_space<hbm>>
    tpu.enqueue_indirect_dma source(%dma_start3A_16 : memref<41600000xf32, #tpu.memory_space<hbm>>) target(%arg9 : memref<13312xf32, #tpu.memory_space<vmem>>) offsets(%arg8 : memref<13312xi32, #tpu.memory_space<vmem>>) semaphore(%arg12 : memref<!tpu.dma_semaphore, #tpu.memory_space<semaphore_mem>>)
    %dma_wait3A_17 = arith.constant 0 : i32
    %dma_wait3A_18 = tpu.memref_slice %arg4[%dma_wait3A_17] : memref<41600000xf32, #tpu.memory_space<hbm>> -> memref<41600000xf32, #tpu.memory_space<hbm>>
    tpu.wait_indirect_dma semaphore(%arg12 : memref<!tpu.dma_semaphore, #tpu.memory_space<semaphore_mem>>) src(%dma_wait3A_18 : memref<41600000xf32, #tpu.memory_space<hbm>>) dst(%arg9 : memref<13312xf32, #tpu.memory_space<vmem>>)
    "tpu.region"() ({
      %run_scoped3A = tpu.sem_alloc : memref<!tpu.dma_semaphore, #tpu.memory_space<semaphore_mem>>
      %dma_start3A_32 = tpu.memref_slice %arg6[%add3A_14] : memref<1703936xf32, #tpu.memory_space<hbm>> -> memref<13312xf32, #tpu.memory_space<hbm>>
      %dma_start3A_33 = tpu.memref_slice %arg6[%add3A_14] : memref<1703936xf32, #tpu.memory_space<hbm>> -> memref<13312xf32, #tpu.memory_space<hbm>>
      tpu.enqueue_dma source(%arg9 : memref<13312xf32, #tpu.memory_space<vmem>>) target(%dma_start3A_33 : memref<13312xf32, #tpu.memory_space<hbm>>) target_semaphore(%run_scoped3A : memref<!tpu.dma_semaphore, #tpu.memory_space<semaphore_mem>>)
      %dma_wait3A_34 = tpu.memref_slice %arg6[%add3A_14] : memref<1703936xf32, #tpu.memory_space<hbm>> -> memref<13312xf32, #tpu.memory_space<hbm>>
      %dma_wait3A_35 = tpu.memref_slice %arg6[%add3A_14] : memref<1703936xf32, #tpu.memory_space<hbm>> -> memref<13312xf32, #tpu.memory_space<hbm>>
      tpu.wait_dma2 semaphore(%run_scoped3A : memref<!tpu.dma_semaphore, #tpu.memory_space<semaphore_mem>>) src(%arg9 : memref<13312xf32, #tpu.memory_space<vmem>>) dst(%dma_wait3A_35 : memref<13312xf32, #tpu.memory_space<hbm>>)
      tpu.yield
    }) : () -> ()
    %add3A_19 = arith.constant 39936 : i32
    %add3A_20 = arith.addi %multiple_of3A, %add3A_19 : i32
    "tpu.region"() ({
      %run_scoped3A = tpu.sem_alloc : memref<!tpu.dma_semaphore, #tpu.memory_space<semaphore_mem>>
      %dma_start3A_32 = tpu.memref_slice %arg2[%add3A_20] : memref<1703936xi32, #tpu.memory_space<hbm>> -> memref<13312xi32, #tpu.memory_space<hbm>>
      %dma_start3A_33 = tpu.memref_slice %arg2[%add3A_20] : memref<1703936xi32, #tpu.memory_space<hbm>> -> memref<13312xi32, #tpu.memory_space<hbm>>
      tpu.enqueue_dma source(%dma_start3A_33 : memref<13312xi32, #tpu.memory_space<hbm>>) target(%arg8 : memref<13312xi32, #tpu.memory_space<vmem>>) target_semaphore(%run_scoped3A : memref<!tpu.dma_semaphore, #tpu.memory_space<semaphore_mem>>)
      %dma_wait3A_34 = tpu.memref_slice %arg2[%add3A_20] : memref<1703936xi32, #tpu.memory_space<hbm>> -> memref<13312xi32, #tpu.memory_space<hbm>>
      %dma_wait3A_35 = tpu.memref_slice %arg2[%add3A_20] : memref<1703936xi32, #tpu.memory_space<hbm>> -> memref<13312xi32, #tpu.memory_space<hbm>>
      tpu.wait_dma2 semaphore(%run_scoped3A : memref<!tpu.dma_semaphore, #tpu.memory_space<semaphore_mem>>) src(%dma_wait3A_35 : memref<13312xi32, #tpu.memory_space<hbm>>) dst(%arg8 : memref<13312xi32, #tpu.memory_space<vmem>>)
      tpu.yield
    }) : () -> ()
    %dma_start3A_21 = arith.constant 0 : i32
    %dma_start3A_22 = tpu.memref_slice %arg4[%dma_start3A_21] : memref<41600000xf32, #tpu.memory_space<hbm>> -> memref<41600000xf32, #tpu.memory_space<hbm>>
    tpu.enqueue_indirect_dma source(%dma_start3A_22 : memref<41600000xf32, #tpu.memory_space<hbm>>) target(%arg9 : memref<13312xf32, #tpu.memory_space<vmem>>) offsets(%arg8 : memref<13312xi32, #tpu.memory_space<vmem>>) semaphore(%arg12 : memref<!tpu.dma_semaphore, #tpu.memory_space<semaphore_mem>>)
    %dma_wait3A_23 = arith.constant 0 : i32
    %dma_wait3A_24 = tpu.memref_slice %arg4[%dma_wait3A_23] : memref<41600000xf32, #tpu.memory_space<hbm>> -> memref<41600000xf32, #tpu.memory_space<hbm>>
    tpu.wait_indirect_dma semaphore(%arg12 : memref<!tpu.dma_semaphore, #tpu.memory_space<semaphore_mem>>) src(%dma_wait3A_24 : memref<41600000xf32, #tpu.memory_space<hbm>>) dst(%arg9 : memref<13312xf32, #tpu.memory_space<vmem>>)
    "tpu.region"() ({
      %run_scoped3A = tpu.sem_alloc : memref<!tpu.dma_semaphore, #tpu.memory_space<semaphore_mem>>
      %dma_start3A_32 = tpu.memref_slice %arg6[%add3A_20] : memref<1703936xf32, #tpu.memory_space<hbm>> -> memref<13312xf32, #tpu.memory_space<hbm>>
      %dma_start3A_33 = tpu.memref_slice %arg6[%add3A_20] : memref<1703936xf32, #tpu.memory_space<hbm>> -> memref<13312xf32, #tpu.memory_space<hbm>>
      tpu.enqueue_dma source(%arg9 : memref<13312xf32, #tpu.memory_space<vmem>>) target(%dma_start3A_33 : memref<13312xf32, #tpu.memory_space<hbm>>) target_semaphore(%run_scoped3A : memref<!tpu.dma_semaphore, #tpu.memory_space<semaphore_mem>>)
      %dma_wait3A_34 = tpu.memref_slice %arg6[%add3A_20] : memref<1703936xf32, #tpu.memory_space<hbm>> -> memref<13312xf32, #tpu.memory_space<hbm>>
      %dma_wait3A_35 = tpu.memref_slice %arg6[%add3A_20] : memref<1703936xf32, #tpu.memory_space<hbm>> -> memref<13312xf32, #tpu.memory_space<hbm>>
      tpu.wait_dma2 semaphore(%run_scoped3A : memref<!tpu.dma_semaphore, #tpu.memory_space<semaphore_mem>>) src(%arg9 : memref<13312xf32, #tpu.memory_space<vmem>>) dst(%dma_wait3A_35 : memref<13312xf32, #tpu.memory_space<hbm>>)
      tpu.yield
    }) : () -> ()
    %mul3A_25 = arith.constant 3328 : i32
    %mul3A_26 = arith.muli %add3A, %mul3A_25 : i32
    %multiple_of3A_27 = tpu.assume_multiple %mul3A_26, 3328 : i32
    "tpu.region"() ({
      %run_scoped3A = tpu.sem_alloc : memref<!tpu.dma_semaphore, #tpu.memory_space<semaphore_mem>>
      %dma_start3A_32 = tpu.memref_slice %arg3[%multiple_of3A_27] : memref<106496xi32, #tpu.memory_space<hbm>> -> memref<3328xi32, #tpu.memory_space<hbm>>
      %dma_start3A_33 = tpu.memref_slice %arg3[%multiple_of3A_27] : memref<106496xi32, #tpu.memory_space<hbm>> -> memref<3328xi32, #tpu.memory_space<hbm>>
      tpu.enqueue_dma source(%dma_start3A_33 : memref<3328xi32, #tpu.memory_space<hbm>>) target(%arg10 : memref<3328xi32, #tpu.memory_space<vmem>>) target_semaphore(%run_scoped3A : memref<!tpu.dma_semaphore, #tpu.memory_space<semaphore_mem>>)
      %dma_wait3A_34 = tpu.memref_slice %arg3[%multiple_of3A_27] : memref<106496xi32, #tpu.memory_space<hbm>> -> memref<3328xi32, #tpu.memory_space<hbm>>
      %dma_wait3A_35 = tpu.memref_slice %arg3[%multiple_of3A_27] : memref<106496xi32, #tpu.memory_space<hbm>> -> memref<3328xi32, #tpu.memory_space<hbm>>
      tpu.wait_dma2 semaphore(%run_scoped3A : memref<!tpu.dma_semaphore, #tpu.memory_space<semaphore_mem>>) src(%dma_wait3A_35 : memref<3328xi32, #tpu.memory_space<hbm>>) dst(%arg10 : memref<3328xi32, #tpu.memory_space<vmem>>)
      tpu.yield
    }) : () -> ()
    %dma_start3A_28 = arith.constant 0 : i32
    %dma_start3A_29 = tpu.memref_slice %arg5[%dma_start3A_28] : memref<2600000xf32, #tpu.memory_space<hbm>> -> memref<2600000xf32, #tpu.memory_space<hbm>>
    tpu.enqueue_indirect_dma source(%dma_start3A_29 : memref<2600000xf32, #tpu.memory_space<hbm>>) target(%arg11 : memref<3328xf32, #tpu.memory_space<vmem>>) offsets(%arg10 : memref<3328xi32, #tpu.memory_space<vmem>>) semaphore(%arg12 : memref<!tpu.dma_semaphore, #tpu.memory_space<semaphore_mem>>)
    %dma_wait3A_30 = arith.constant 0 : i32
    %dma_wait3A_31 = tpu.memref_slice %arg5[%dma_wait3A_30] : memref<2600000xf32, #tpu.memory_space<hbm>> -> memref<2600000xf32, #tpu.memory_space<hbm>>
    tpu.wait_indirect_dma semaphore(%arg12 : memref<!tpu.dma_semaphore, #tpu.memory_space<semaphore_mem>>) src(%dma_wait3A_31 : memref<2600000xf32, #tpu.memory_space<hbm>>) dst(%arg11 : memref<3328xf32, #tpu.memory_space<vmem>>)
    "tpu.region"() ({
      %run_scoped3A = tpu.sem_alloc : memref<!tpu.dma_semaphore, #tpu.memory_space<semaphore_mem>>
      %dma_start3A_32 = tpu.memref_slice %arg7[%multiple_of3A_27] : memref<106496xf32, #tpu.memory_space<hbm>> -> memref<3328xf32, #tpu.memory_space<hbm>>
      %dma_start3A_33 = tpu.memref_slice %arg7[%multiple_of3A_27] : memref<106496xf32, #tpu.memory_space<hbm>> -> memref<3328xf32, #tpu.memory_space<hbm>>
      tpu.enqueue_dma source(%arg11 : memref<3328xf32, #tpu.memory_space<vmem>>) target(%dma_start3A_33 : memref<3328xf32, #tpu.memory_space<hbm>>) target_semaphore(%run_scoped3A : memref<!tpu.dma_semaphore, #tpu.memory_space<semaphore_mem>>)
      %dma_wait3A_34 = tpu.memref_slice %arg7[%multiple_of3A_27] : memref<106496xf32, #tpu.memory_space<hbm>> -> memref<3328xf32, #tpu.memory_space<hbm>>
      %dma_wait3A_35 = tpu.memref_slice %arg7[%multiple_of3A_27] : memref<106496xf32, #tpu.memory_space<hbm>> -> memref<3328xf32, #tpu.memory_space<hbm>>
      tpu.wait_dma2 semaphore(%run_scoped3A : memref<!tpu.dma_semaphore, #tpu.memory_space<semaphore_mem>>) src(%arg11 : memref<3328xf32, #tpu.memory_space<vmem>>) dst(%dma_wait3A_35 : memref<3328xf32, #tpu.memory_space<hbm>>)
      tpu.yield
    }) : () -> ()
    return
  }
}

module attributes {stable_mosaic.version = 14 : i64} {
  func.func @_tc_dense_body(%arg0: memref<4096x416xf32, #tpu.memory_space<vmem>>, %arg1: memref<4096x26xf32, #tpu.memory_space<vmem>>, %arg2: memref<1xf32, #tpu.memory_space<vmem>>, %arg3: memref<416x400xf32, #tpu.memory_space<vmem>>, %arg4: memref<400xf32, #tpu.memory_space<vmem>>, %arg5: memref<400x400xf32, #tpu.memory_space<vmem>>, %arg6: memref<400xf32, #tpu.memory_space<vmem>>, %arg7: memref<400x1xf32, #tpu.memory_space<vmem>>, %arg8: memref<1xf32, #tpu.memory_space<vmem>>, %arg9: memref<4096x1xf32, #tpu.memory_space<vmem>>) attributes {dimension_semantics = [], scalar_prefetch = 0 : i64, scratch_operands = 0 : i64, tpu.core_type = #tpu.core_type<tc>} {
    %get3A = arith.constant 0 : index
    %get3A_0 = arith.constant 0 : index
    %get3A_1 = vector.load %arg0[%get3A, %get3A_0] : memref<4096x416xf32, #tpu.memory_space<vmem>>, vector<4096x416xf32>
    %slice3A = vector.extract_strided_slice %get3A_1 {offsets = [0, 0], sizes = [4096, 16], strides = [1, 1]} : vector<4096x416xf32> to vector<4096x16xf32>
    %slice3A_2 = vector.extract_strided_slice %get3A_1 {offsets = [0, 16], sizes = [4096, 16], strides = [1, 1]} : vector<4096x416xf32> to vector<4096x16xf32>
    %add3A = arith.addf %slice3A, %slice3A_2 : vector<4096x16xf32>
    %slice3A_3 = vector.extract_strided_slice %get3A_1 {offsets = [0, 32], sizes = [4096, 16], strides = [1, 1]} : vector<4096x416xf32> to vector<4096x16xf32>
    %add3A_4 = arith.addf %add3A, %slice3A_3 : vector<4096x16xf32>
    %slice3A_5 = vector.extract_strided_slice %get3A_1 {offsets = [0, 48], sizes = [4096, 16], strides = [1, 1]} : vector<4096x416xf32> to vector<4096x16xf32>
    %add3A_6 = arith.addf %add3A_4, %slice3A_5 : vector<4096x16xf32>
    %slice3A_7 = vector.extract_strided_slice %get3A_1 {offsets = [0, 64], sizes = [4096, 16], strides = [1, 1]} : vector<4096x416xf32> to vector<4096x16xf32>
    %add3A_8 = arith.addf %add3A_6, %slice3A_7 : vector<4096x16xf32>
    %slice3A_9 = vector.extract_strided_slice %get3A_1 {offsets = [0, 80], sizes = [4096, 16], strides = [1, 1]} : vector<4096x416xf32> to vector<4096x16xf32>
    %add3A_10 = arith.addf %add3A_8, %slice3A_9 : vector<4096x16xf32>
    %slice3A_11 = vector.extract_strided_slice %get3A_1 {offsets = [0, 96], sizes = [4096, 16], strides = [1, 1]} : vector<4096x416xf32> to vector<4096x16xf32>
    %add3A_12 = arith.addf %add3A_10, %slice3A_11 : vector<4096x16xf32>
    %slice3A_13 = vector.extract_strided_slice %get3A_1 {offsets = [0, 112], sizes = [4096, 16], strides = [1, 1]} : vector<4096x416xf32> to vector<4096x16xf32>
    %add3A_14 = arith.addf %add3A_12, %slice3A_13 : vector<4096x16xf32>
    %slice3A_15 = vector.extract_strided_slice %get3A_1 {offsets = [0, 128], sizes = [4096, 16], strides = [1, 1]} : vector<4096x416xf32> to vector<4096x16xf32>
    %add3A_16 = arith.addf %add3A_14, %slice3A_15 : vector<4096x16xf32>
    %slice3A_17 = vector.extract_strided_slice %get3A_1 {offsets = [0, 144], sizes = [4096, 16], strides = [1, 1]} : vector<4096x416xf32> to vector<4096x16xf32>
    %add3A_18 = arith.addf %add3A_16, %slice3A_17 : vector<4096x16xf32>
    %slice3A_19 = vector.extract_strided_slice %get3A_1 {offsets = [0, 160], sizes = [4096, 16], strides = [1, 1]} : vector<4096x416xf32> to vector<4096x16xf32>
    %add3A_20 = arith.addf %add3A_18, %slice3A_19 : vector<4096x16xf32>
    %slice3A_21 = vector.extract_strided_slice %get3A_1 {offsets = [0, 176], sizes = [4096, 16], strides = [1, 1]} : vector<4096x416xf32> to vector<4096x16xf32>
    %add3A_22 = arith.addf %add3A_20, %slice3A_21 : vector<4096x16xf32>
    %slice3A_23 = vector.extract_strided_slice %get3A_1 {offsets = [0, 192], sizes = [4096, 16], strides = [1, 1]} : vector<4096x416xf32> to vector<4096x16xf32>
    %add3A_24 = arith.addf %add3A_22, %slice3A_23 : vector<4096x16xf32>
    %slice3A_25 = vector.extract_strided_slice %get3A_1 {offsets = [0, 208], sizes = [4096, 16], strides = [1, 1]} : vector<4096x416xf32> to vector<4096x16xf32>
    %add3A_26 = arith.addf %add3A_24, %slice3A_25 : vector<4096x16xf32>
    %slice3A_27 = vector.extract_strided_slice %get3A_1 {offsets = [0, 224], sizes = [4096, 16], strides = [1, 1]} : vector<4096x416xf32> to vector<4096x16xf32>
    %add3A_28 = arith.addf %add3A_26, %slice3A_27 : vector<4096x16xf32>
    %slice3A_29 = vector.extract_strided_slice %get3A_1 {offsets = [0, 240], sizes = [4096, 16], strides = [1, 1]} : vector<4096x416xf32> to vector<4096x16xf32>
    %add3A_30 = arith.addf %add3A_28, %slice3A_29 : vector<4096x16xf32>
    %slice3A_31 = vector.extract_strided_slice %get3A_1 {offsets = [0, 256], sizes = [4096, 16], strides = [1, 1]} : vector<4096x416xf32> to vector<4096x16xf32>
    %add3A_32 = arith.addf %add3A_30, %slice3A_31 : vector<4096x16xf32>
    %slice3A_33 = vector.extract_strided_slice %get3A_1 {offsets = [0, 272], sizes = [4096, 16], strides = [1, 1]} : vector<4096x416xf32> to vector<4096x16xf32>
    %add3A_34 = arith.addf %add3A_32, %slice3A_33 : vector<4096x16xf32>
    %slice3A_35 = vector.extract_strided_slice %get3A_1 {offsets = [0, 288], sizes = [4096, 16], strides = [1, 1]} : vector<4096x416xf32> to vector<4096x16xf32>
    %add3A_36 = arith.addf %add3A_34, %slice3A_35 : vector<4096x16xf32>
    %slice3A_37 = vector.extract_strided_slice %get3A_1 {offsets = [0, 304], sizes = [4096, 16], strides = [1, 1]} : vector<4096x416xf32> to vector<4096x16xf32>
    %add3A_38 = arith.addf %add3A_36, %slice3A_37 : vector<4096x16xf32>
    %slice3A_39 = vector.extract_strided_slice %get3A_1 {offsets = [0, 320], sizes = [4096, 16], strides = [1, 1]} : vector<4096x416xf32> to vector<4096x16xf32>
    %add3A_40 = arith.addf %add3A_38, %slice3A_39 : vector<4096x16xf32>
    %slice3A_41 = vector.extract_strided_slice %get3A_1 {offsets = [0, 336], sizes = [4096, 16], strides = [1, 1]} : vector<4096x416xf32> to vector<4096x16xf32>
    %add3A_42 = arith.addf %add3A_40, %slice3A_41 : vector<4096x16xf32>
    %slice3A_43 = vector.extract_strided_slice %get3A_1 {offsets = [0, 352], sizes = [4096, 16], strides = [1, 1]} : vector<4096x416xf32> to vector<4096x16xf32>
    %add3A_44 = arith.addf %add3A_42, %slice3A_43 : vector<4096x16xf32>
    %slice3A_45 = vector.extract_strided_slice %get3A_1 {offsets = [0, 368], sizes = [4096, 16], strides = [1, 1]} : vector<4096x416xf32> to vector<4096x16xf32>
    %add3A_46 = arith.addf %add3A_44, %slice3A_45 : vector<4096x16xf32>
    %slice3A_47 = vector.extract_strided_slice %get3A_1 {offsets = [0, 384], sizes = [4096, 16], strides = [1, 1]} : vector<4096x416xf32> to vector<4096x16xf32>
    %add3A_48 = arith.addf %add3A_46, %slice3A_47 : vector<4096x16xf32>
    %slice3A_49 = vector.extract_strided_slice %get3A_1 {offsets = [0, 400], sizes = [4096, 16], strides = [1, 1]} : vector<4096x416xf32> to vector<4096x16xf32>
    %add3A_50 = arith.addf %add3A_48, %slice3A_49 : vector<4096x16xf32>
    %mul3A = arith.mulf %add3A_50, %add3A_50 : vector<4096x16xf32>
    %reduce_sum3A = vector.shape_cast %mul3A : vector<4096x16xf32> to vector<1x4096x16xf32>
    %reduce_sum3A_51 = arith.constant dense<0.000000e+00> : vector<1xf32>
    %reduce_sum3A_52 = vector.multi_reduction <add>, %reduce_sum3A, %reduce_sum3A_51 [1, 2] : vector<1x4096x16xf32> to vector<1xf32>
    %reduce_sum3A_53 = vector.shape_cast %reduce_sum3A_52 : vector<1xf32> to vector<1x1x1xf32>
    %reduce_sum3A_54 = vector.extract %reduce_sum3A_53[0, 0, 0] : f32 from vector<1x1x1xf32>
    %mul3A_55 = arith.mulf %get3A_1, %get3A_1 : vector<4096x416xf32>
    %reduce_sum3A_56 = vector.shape_cast %mul3A_55 : vector<4096x416xf32> to vector<1x4096x416xf32>
    %reduce_sum3A_57 = arith.constant dense<0.000000e+00> : vector<1xf32>
    %reduce_sum3A_58 = vector.multi_reduction <add>, %reduce_sum3A_56, %reduce_sum3A_57 [1, 2] : vector<1x4096x416xf32> to vector<1xf32>
    %reduce_sum3A_59 = vector.shape_cast %reduce_sum3A_58 : vector<1xf32> to vector<1x1x1xf32>
    %reduce_sum3A_60 = vector.extract %reduce_sum3A_59[0, 0, 0] : f32 from vector<1x1x1xf32>
    %sub3A = arith.subf %reduce_sum3A_54, %reduce_sum3A_60 : f32
    %mul3A_61 = arith.constant 5.000000e-01 : f32
    %mul3A_62 = arith.mulf %mul3A_61, %sub3A : f32
    %get3A_63 = arith.constant 0 : index
    %get3A_64 = arith.constant 0 : index
    %get3A_65 = vector.load %arg1[%get3A_63, %get3A_64] : memref<4096x26xf32, #tpu.memory_space<vmem>>, vector<4096x26xf32>
    %reduce_sum3A_66 = arith.constant dense<0.000000e+00> : vector<4096xf32>
    %reduce_sum3A_67 = vector.multi_reduction <add>, %get3A_65, %reduce_sum3A_66 [1] : vector<4096x26xf32> to vector<4096xf32>
    %broadcast_in_dim3A = vector.shape_cast %reduce_sum3A_67 : vector<4096xf32> to vector<4096x1xf32>
    %get3A_68 = arith.constant 0 : index
    %get3A_69 = vector.load %arg2[%get3A_68] : memref<1xf32, #tpu.memory_space<vmem>>, vector<1xf32>
    %broadcast_in_dim3A_70 = vector.shape_cast %get3A_69 : vector<1xf32> to vector<1x1xf32>
    %add3A_71 = vector.broadcast %broadcast_in_dim3A_70 : vector<1x1xf32> to vector<4096x1xf32>
    %add3A_72 = arith.addf %broadcast_in_dim3A, %add3A_71 : vector<4096x1xf32>
    %get3A_73 = arith.constant 0 : index
    %get3A_74 = arith.constant 0 : index
    %get3A_75 = vector.load %arg3[%get3A_73, %get3A_74] : memref<416x400xf32, #tpu.memory_space<vmem>>, vector<416x400xf32>
    %dot_general3A = arith.constant dense<0.000000e+00> : vector<4096x400xf32>
    %dot_general3A_76 = tpu.matmul %get3A_1, %get3A_75, %dot_general3A {dimension_numbers = #tpu.dot_dimension_numbers<[1], [0], [0], [1], [0, 0, 1, 1], [], []>, transpose_lhs_hint = false} : vector<4096x416xf32>, vector<416x400xf32>, vector<4096x400xf32> -> vector<4096x400xf32>
    %get3A_77 = arith.constant 0 : index
    %get3A_78 = vector.load %arg4[%get3A_77] : memref<400xf32, #tpu.memory_space<vmem>>, vector<400xf32>
    %broadcast_in_dim3A_79 = vector.shape_cast %get3A_78 : vector<400xf32> to vector<1x400xf32>
    %add3A_80 = vector.broadcast %broadcast_in_dim3A_79 : vector<1x400xf32> to vector<4096x400xf32>
    %add3A_81 = arith.addf %dot_general3A_76, %add3A_80 : vector<4096x400xf32>
    %max3A = arith.constant 0.000000e+00 : f32
    %max3A_82 = vector.broadcast %max3A : f32 to vector<4096x400xf32>
    %max3A_83 = arith.maximumf %add3A_81, %max3A_82 : vector<4096x400xf32>
    %get3A_84 = arith.constant 0 : index
    %get3A_85 = arith.constant 0 : index
    %get3A_86 = vector.load %arg5[%get3A_84, %get3A_85] : memref<400x400xf32, #tpu.memory_space<vmem>>, vector<400x400xf32>
    %dot_general3A_87 = arith.constant dense<0.000000e+00> : vector<4096x400xf32>
    %dot_general3A_88 = tpu.matmul %max3A_83, %get3A_86, %dot_general3A_87 {dimension_numbers = #tpu.dot_dimension_numbers<[1], [0], [0], [1], [0, 0, 1, 1], [], []>, transpose_lhs_hint = false} : vector<4096x400xf32>, vector<400x400xf32>, vector<4096x400xf32> -> vector<4096x400xf32>
    %get3A_89 = arith.constant 0 : index
    %get3A_90 = vector.load %arg6[%get3A_89] : memref<400xf32, #tpu.memory_space<vmem>>, vector<400xf32>
    %broadcast_in_dim3A_91 = vector.shape_cast %get3A_90 : vector<400xf32> to vector<1x400xf32>
    %add3A_92 = vector.broadcast %broadcast_in_dim3A_91 : vector<1x400xf32> to vector<4096x400xf32>
    %add3A_93 = arith.addf %dot_general3A_88, %add3A_92 : vector<4096x400xf32>
    %max3A_94 = arith.constant 0.000000e+00 : f32
    %max3A_95 = vector.broadcast %max3A_94 : f32 to vector<4096x400xf32>
    %max3A_96 = arith.maximumf %add3A_93, %max3A_95 : vector<4096x400xf32>
    %get3A_97 = arith.constant 0 : index
    %get3A_98 = arith.constant 0 : index
    %get3A_99 = vector.load %arg7[%get3A_97, %get3A_98] : memref<400x1xf32, #tpu.memory_space<vmem>>, vector<400x1xf32>
    %dot_general3A_100 = arith.constant dense<0.000000e+00> : vector<4096x1xf32>
    %dot_general3A_101 = tpu.matmul %max3A_96, %get3A_99, %dot_general3A_100 {dimension_numbers = #tpu.dot_dimension_numbers<[1], [0], [0], [1], [0, 0, 1, 1], [], []>, transpose_lhs_hint = false} : vector<4096x400xf32>, vector<400x1xf32>, vector<4096x1xf32> -> vector<4096x1xf32>
    %get3A_102 = arith.constant 0 : index
    %get3A_103 = vector.load %arg8[%get3A_102] : memref<1xf32, #tpu.memory_space<vmem>>, vector<1xf32>
    %broadcast_in_dim3A_104 = vector.shape_cast %get3A_103 : vector<1xf32> to vector<1x1xf32>
    %add3A_105 = vector.broadcast %broadcast_in_dim3A_104 : vector<1x1xf32> to vector<4096x1xf32>
    %add3A_106 = arith.addf %dot_general3A_101, %add3A_105 : vector<4096x1xf32>
    %add3A_107 = arith.addf %add3A_106, %add3A_72 : vector<4096x1xf32>
    %add3A_108 = vector.broadcast %mul3A_62 : f32 to vector<4096x1xf32>
    %add3A_109 = arith.addf %add3A_107, %add3A_108 : vector<4096x1xf32>
    %swap3A = arith.constant 0 : index
    %swap3A_110 = arith.constant 0 : index
    %swap3A_111 = vector.load %arg9[%swap3A, %swap3A_110] : memref<4096x1xf32, #tpu.memory_space<vmem>>, vector<4096x1xf32>
    tpu.vector_store %arg9[%swap3A, %swap3A_110], %add3A_109 {strides = array<i32>} : memref<4096x1xf32, #tpu.memory_space<vmem>>, vector<4096x1xf32>,
    return
  }
}

</mosaic_0001>

<sc_bundles>
// kernel: kernel.4.cloned.1.call-start
scs
__scs_entry_jumppad:
0x0: {  	(pc) =	sbr.rel $0x88, $3  }
0x1: {  	(tag) =	ssettag $0x0;
	lr =	simm.s32 $0x1  }
0x2: {  	[smem:$0x3F97] =	sst lr;
	_ =	strace $0xD0000000  }
0x3: {  	_ = 	snop  }
0x4: {  	_ = 	snop  }
0x5: {  	_ = 	snop  }
0x6: {  	_ = 	snop  }
0x7: {  	_ = 	snop  }
__scs_overlays_trampoline_lowered:
0x8: {  	[smem:$0x3FA6] =	sst s0  }
0x9: {  	[smem:$0x3FA7] =	sst s1  }
0xa: {  	[smem:$0x3FA8] =	sst s2  }
0xb: {  	[smem:$0x3FA9] =	sst s3  }
0xc: {  	[smem:$0x3FAA] =	sst s4  }
0xd: {  	[smem:$0x3FAB] =	sst s5  }
0xe: {  	[smem:$0x3FAC] =	sst s6  }
0xf: {  	[smem:$0x3FAD] =	sst s7  }
0x10: {  	[smem:$0x3FAE] =	sst s8  }
0x11: {  	[smem:$0x3FAF] =	sst s9;
	s0 =	simm.s32 @!p0 $0x0  }
0x12: {  	s1 =	sld [smem:$0x3F95];
	s0 =	simm.s32 @p0 $0x1  }
0x13: {  	[smem:$0x3FB0] =	sst s0;
	s0 =	simm.s32 @!p1 $0x0  }
0x14: {  	s2 =	sld [smem:$0x3F94];
	s0 =	simm.s32 @p1 $0x1  }
0x15: {  	[smem:$0x3FB1] =	sst s0;
	s0 =	simm.s32 @!p2 $0x0  }
0x16: {  	s3 =	sld [smem:$0x3FDB];
	s0 =	simm.s32 @p2 $0x1  }
0x17: {  	s4 =	simm.s32 $0x1BF5;
	[smem:$0x3FB3] =	sst s0  }
0x18: {  	s0 =	sld [smem:$0x3F96];
	_ =	swait.ge [sflag:s4], $0x0  }
0x19: {  	s7 =	sld [smem:$0x3F97]  }
0x1a: {  	s8 =	sadd.s32 $0xFFFFE003, lr  }
0x1b: {  	s9 =	sadd.s32 $0xFFFFFEF7, lr;
	s5 =	simm.s32 $0xFFFFFFFF;
	p2 =	slt.u32 s8, $0xFFFFF086  }
0x1c: {  	p1 =	slt.u32 s9, $0xF7A;
	s5 =	simm.s32 @!p2 $0x0  }
0x1d: {  	s5 =	simm.s32 @p1 $0x1;
	p0 =	seq.s32 s7, s2  }
0x1e: {  	s7 =	smul.u32 @!p0 $0xF7A, s2;
	p2 =	seq.s32 @!p0 s5, $0x0  }
0x1f: {  	s9 =	smul.u32 $0xF7A, s1;
	s8 =	simm.s32 @!p0 $0x1BF5;
	p2 =	por !p2, p0  }
0x20: {  	[sflag:s8] =	ssyncset.s32 @!p0 $0xFFFFF086;
	s6 =	sadd.s32 @!p0 s3, s7;
	s7 =	simm.s32 @!p0 $0x108  }
0x21: {  	s3 =	sadd.s32 s3, s9;
	s6 =	sadd.s32 @!p0 $0x88, s6;
	s7 =	simm.s32 @p2 $0x1082  }
0x22: {  	[simem:s7], [sflag:s8] =	dma.local @!p0 [hbm:s6], $0xF7A  }
0x23: {  	s9 =	sor.u32 $0xD0000000, s2;
	s6 =	simm.s32 $0x108;
	_ =	swait.ge @!p0 [sflag:s8], $0x0  }
0x24: {  	s3 =	sadd.s32 $0x88, s3;
	s6 =	simm.s32 @!p1 $0x1082;
	[sflag:s4] =	ssyncset.s32 $0xFFFFF086  }
0x25: {  	[simem:s6], [sflag:s4] =	dma.local [hbm:s3], $0xF7A  }
0x26: {  	[smem:$0x3F97] =	sst s1;
	(tag) =	ssettag s2;
	_ =	strace s9  }
0x27: {  	s1 =	sld [smem:$0x3FA7]  }
0x28: {  	s2 =	sld [smem:$0x3FA8]  }
0x29: {  	s4 =	sld [smem:$0x3FAA]  }
0x2a: {  	p0 =	seq.s32 s5, $0x0;
	s5 =	sld [smem:$0x3FAB]  }
0x2b: {  	s6 =	sld [smem:$0x3FAC]  }
0x2c: {  	s7 =	sld [smem:$0x3FAD]  }
0x2d: {  	s3 =	simm.s32 $0x108;
	s8 =	sld [smem:$0x3FAE]  }
0x2e: {  	s3 =	simm.s32 @!p0 $0x1082;
	s9 =	sld [smem:$0x3FAF]  }
0x2f: {  	lr =	sadd.s32 s0, s3;
	s0 =	sld [smem:$0x3FA6]  }
0x30: {  	s3 =	sld [smem:$0x3FA9]  }
0x31: {  	[smem:$0x3FB2] =	sst s10  }
0x32: {  	s10 =	sld [smem:$0x3FB0];
	_ =	sdelay $0x3  }
0x33: {  	p0 =	seq.s32 s10, $0x1;
	s10 =	sld [smem:$0x3FB2];
	_ =	sdelay $0x3  }
0x34: {  	[smem:$0x3FB2] =	sst s10  }
0x35: {  	s10 =	sld [smem:$0x3FB1];
	_ =	sdelay $0x3  }
0x36: {  	p1 =	seq.s32 s10, $0x1;
	s10 =	sld [smem:$0x3FB2];
	_ =	sdelay $0x3  }
0x37: {  	[smem:$0x3FB2] =	sst s10  }
0x38: {  	s10 =	sld [smem:$0x3FB3]  }
0x39: {  	_ = 	snop;
	(pc) =	sbr.ind lr, $3  }
0x3a: {  	_ = 	snop  }
0x3b: {  	_ = 	snop  }
0x3c: {  	p2 =	seq.s32 s10, $0x1;
	s10 =	sld [smem:$0x3FB2]  }
0x3d: {  	_ =	shalt  }
0x3e: {  	_ =	shalt  }
0x3f: {  	_ =	shalt  }
0x40: {  	_ =	shalt  }
0x41: {  	_ =	shalt  }
0x42: {  	_ =	shalt  }
0x43: {  	_ =	shalt  }
0x44: {  	_ =	shalt  }
0x45: {  	_ =	shalt  }
0x46: {  	_ =	shalt  }
0x47: {  	_ =	shalt  }
0x48: {  	_ =	shalt  }
0x49: {  	_ =	shalt  }
0x4a: {  	_ =	shalt  }
0x4b: {  	_ =	shalt  }
0x4c: {  	_ =	shalt  }
0x4d: {  	_ =	shalt  }
0x4e: {  	_ =	shalt  }
0x4f: {  	_ =	shalt  }
0x50: {  	_ =	shalt  }
0x51: {  	_ =	shalt  }
0x52: {  	_ =	shalt  }
0x53: {  	_ =	shalt  }
0x54: {  	_ =	shalt  }
0x55: {  	_ =	shalt  }
0x56: {  	_ =	shalt  }
0x57: {  	_ =	shalt  }
0x58: {  	_ =	shalt  }
0x59: {  	_ =	shalt  }
0x5a: {  	_ =	shalt  }
0x5b: {  	_ =	shalt  }
0x5c: {  	_ =	shalt  }
0x5d: {  	_ =	shalt  }
0x5e: {  	_ =	shalt  }
0x5f: {  	_ =	shalt  }
0x60: {  	_ =	shalt  }
0x61: {  	_ =	shalt  }
0x62: {  	_ =	shalt  }
0x63: {  	_ =	shalt  }
0x64: {  	_ =	shalt  }
0x65: {  	_ =	shalt  }
0x66: {  	_ =	shalt  }
0x67: {  	_ =	shalt  }
0x68: {  	_ =	shalt  }
0x69: {  	_ =	shalt  }
0x6a: {  	_ =	shalt  }
0x6b: {  	_ =	shalt  }
0x6c: {  	_ =	shalt  }
0x6d: {  	_ =	shalt  }
0x6e: {  	_ =	shalt  }
0x6f: {  	_ =	shalt  }
0x70: {  	_ =	shalt  }
0x71: {  	_ =	shalt  }
0x72: {  	_ =	shalt  }
0x73: {  	_ =	shalt  }
0x74: {  	_ =	shalt  }
0x75: {  	_ =	shalt  }
0x76: {  	_ =	shalt  }
0x77: {  	_ =	shalt  }
0x78: {  	_ =	shalt  }
0x79: {  	_ =	shalt  }
0x7a: {  	_ =	shalt  }
0x7b: {  	_ =	shalt  }
0x7c: {  	_ =	shalt  }
0x7d: {  	_ =	shalt  }
0x7e: {  	_ =	shalt  }
0x7f: {  	_ =	shalt  }
0x80: {  	_ =	shalt  }
0x81: {  	_ =	shalt  }
0x82: {  	_ =	shalt  }
0x83: {  	_ =	shalt  }
0x84: {  	_ =	shalt  }
0x85: {  	_ =	shalt  }
0x86: {  	_ =	shalt  }
0x87: {  	_ =	shalt  }
.Lfunc_end0:
.L_simem_size_0:
called_computation_lowered:
.L_overlay_start_0:
0x88: {  	s2 =	sld [smem:$0x3FD9]  }
0x89: {  	s3 =	sld [smem:$0x3FFE];
	_ =	sdelay $0x1  }
0x8a: {  	s1 =	srdreg.scid  }
0x8b: {  	s0 =	sand.u32 $0x1, s1  }
0x8c: {  	s16 =	sshll.u32 s0, $0xA;
	s2 =	sadd.s32 s3, s2  }
0x8d: {  	s2 =	sadd.s32 s2, s16  }
0x8e: {  	[smem:$0x3FBE] =	sst s2  }
0x8f: {  	_ = 	snop  }
0x90: {  	(tm) =	ssettm $0x1  }
0x91: {  	s17 =	sld [smem:$0x3FFB];
	_ =	sdelay $0x3  }
0x92: {  	_ =	strace s17  }
0x93: {  	s2 =	sld [smem:$0x3FFC];
	_ =	sdelay $0x3  }
0x94: {  	_ =	strace s2  }
0x95: {  	s2 =	sld [smem:$0x3FFD];
	_ =	sdelay $0x3  }
0x96: {  	_ =	strace s2  }
0x97: {  	_ =	strace $0x8FFFFFFF  }
0x98: {  	s18 =	sld [smem:$0x3FDB];
	_ =	sdelay $0x1  }
0x99: {  	s19 =	simm.s32 $_scs_section_size  }
0x9a: {  	s4 =	simm.s32 $_size__tile_overlayer_lowered;
	s5 =	simm.s32 $_tile_overlayer_lowered  }
0x9b: {  	s22 =	simm.s32 $0x1BFF;
	s21 =	sshll.u32 s5, $0x1;
	s2 =	sadd.s32 s19, s18  }
0x9c: {  	s6 =	simm.s32 $0x0;
	s20 =	sshll.u32 s4, $0x1;
	s4 =	sadd.s32 s21, s2  }
0x9d: {  	[timem:s6], [sflag:s22] =	dma.local [hbm:s4], s20  }
0x9e: {  	_ =	swait.ge [sflag:s22], s20  }
0x9f: {  	s3 =	ssub.s32 $0x0, s20;
	[sflag:s22] =	ssyncset.done $0x0  }
0xa0: {  	[sflag:s22] =	ssyncadd.s32 s3;
	_ =	sdelay $0x1  }
0xa1: {  	s23 =	simm.s32 $0x1B8B  }
0xa2: {  	_ =	swait.ge [sflag:s23], $0x1  }
0xa3: {  	[sflag:s23] =	ssyncset.done $0x0  }
0xa4: {  	s25 =	simm.s32 $0x1B8E;
	s24 =	sld [smem:$0x3FFE];
	[sflag:s23] =	ssyncadd.s32 $0xFFFFFFFF  }
0xa5: {  	s26 =	simm.s32 $execute0_lowered;
	[smem:$0x3FD2] =	sst s25  }
0xa6: {  	s4 =	sshll.u32 s26, $0x1;
	_ =	strace $0x80000046;
	[dreg:$0x1] =	wrdreg $0xFFFFFFFF  }
0xa7: {  	s28 =	simm.s32 $_size_execute0_lowered;
	s2 =	sadd.s32 s2, s4;
	[dreg:$0x0] =	wrdreg $0x0  }
0xa8: {  	s4 =	sshll.u32 s28, $0x1;
	[dreg:$0x2] =	wrdreg s2  }
0xa9: {  	[dreg:$0x3] =	wrdreg s4  }
0xaa: {  	[dreg:$0x4] =	wrdreg $0xC0  }
0xab: {  	_ =	task [dreg:s6], $0x5FFFF  }
0xac: {  	[dreg:$0x1] =	wrdreg $0xFFFFFFFF  }
0xad: {  	[dreg:$0x0] =	wrdreg $0x60  }
0xae: {  	[dreg:$0x2] =	wrdreg s24  }
0xaf: {  	[dreg:$0x3] =	wrdreg $0x9  }
0xb0: {  	_ =	task.clear_ibuf [dreg:s6], $0x4FFFF;
	_ =	strace $0x90000046  }
0xb1: {  	s29 =	simm.s32 $0x9;
	_ =	strace $0x80000048  }
0xb2: {  	_ =	swait.ge [sflag:s29], $0x1  }
0xb3: {  	[sflag:s29] =	ssyncadd.s32 $0xFFFFFFFF  }
0xb4: {  	_ =	strace $0x90000048  }
0xb5: {  	_ =	sfence  }
0xb6: {  	s30 =	sld [smem:$0x0];
	_ =	sdelay $0x2  }
0xb7: {  	s31 =	sshll.u32 s1, $0xD;
	s1 =	sshrl.u32 s1, $0x2  }
0xb8: {  	s3 =	sand.u32 $0x4000, s31;
	s1 =	sadd.s32 s1, s30  }
0xb9: {  	s0 =	sor.u32 s3, s0;
	s1 =	sshll.u32 s1, $0x11  }
0xba: {  	s0 =	sor.u32 s1, s0  }
0xbb: {  	s0 =	sadd.s32 $0x8F2B, s0  }
0xbc: {  	[sflag:s0] =	ssyncadd.remote.s32 $0x1  }
0xbd: {  	_ =	sfence.sel $0xFFFF  }
0xbe: {  	[dreg:$0x0] =	wrdreg $0xFFFFFFFF;
	(pc) =	sbr.abs _section_cstart, $3  }
0xbf: {  	[dreg:$0x1] =	wrdreg $0xFFFFFFFF  }
0xc0: {  	_ =	task.clear_ibuf [dreg:s6], $0x2FFFF;
	_ =	strace $0x9FFFFFFF  }
0xc1: {  	(tm) =	ssettm $0x7FFFFFFF  }
tec
execute0_lowered:
.L_overlay_start_1:
0x0: {  	(tag) =	ssettag $0x1  }
0x1: {  	s1 =	srdreg.scid;
	s0 =	stileid.u32  }
0x2: {  	s18 =	sand.u32 $0x1, s1;
	s31 =	sshll.u32 s0, $0x1  }
0x3: {  	s14 =	sor.u32 s18, s31  }
0x4: {  	s17 =	rddreg [dreg:$0x0];
	s3 =	smul.u32 $0xD000, s14  }
0x5: {  	s2 =	simm.s32 $0x0;
	s1 =	rddreg [dreg:$0x1]  }
0x6: {  	[smem:$0x7FF] =	sst s2;
	s13 =	sadd.s32 $0x1A4800, s17;
	s15 =	sshrl.u32 s3, $0x3  }
0x7: {  	_ =	strace $0x80000047;
	s3 =	simm.s32 $0x2;
	s4 =	sadd.s32 s13, s15  }
0x8: {  	[tilespmem:s2], [sflag:$0x2] =	stream.linear.gather [hbm4b:s4+s2], $0x3400, $0x38;
	[tilespmem:$0x8200] =	vst v63  }
0x9: {  	_ =	swait.ge [sflag:s3], $0x3400  }
0xa: {  	s6 =	simm.s32 $0x3400;
	[sflag:s3] =	ssyncset.done $0x0  }
0xb: {  	s7 =	simm.s32 $0x1;
	s5 =	sadd.s32 $0x2984C00, s17;
	[sflag:s3] =	ssyncadd.s32 $0xFFFFCC00  }
0xc: {  	[tilespmem:s6], [sflag:$0x1] =	stream.indirect.gather [hbm4b:s5+s6], $0x1, s2, s6, $0xb8;
	[tilespmem:$0x8200] =	vst v63  }
0xd: {  	_ =	swait.ge [sflag:s7], $0x3400  }
0xe: {  	s16 =	sadd.s32 $0x53E00, s17;
	[sflag:s7] =	ssyncset.done $0x0  }
0xf: {  	s8 =	sadd.s32 s16, s15;
	[sflag:s7] =	ssyncadd.s32 $0xFFFFCC00  }
0x10: {  	[hbm4b:s8+s2] =	stream.linear.scatter [tilespmem:s6], [sflag:$0x2], $0x3400, $0x38;
	[tilespmem:$0x8200] =	vst v63  }
0x11: {  	_ =	swait.ge [sflag:s3], $0x3400  }
0x12: {  	s10 =	sadd.s32 $0x680, s15;
	[sflag:s3] =	ssyncset.done $0x0  }
0x13: {  	s9 =	sadd.s32 s13, s10;
	[sflag:s3] =	ssyncadd.s32 $0xFFFFCC00  }
0x14: {  	[tilespmem:s2], [sflag:$0x2] =	stream.linear.gather [hbm4b:s9+s2], $0x3400, $0x38;
	[tilespmem:$0x8200] =	vst v63  }
0x15: {  	_ =	swait.ge [sflag:s3], $0x3400  }
0x16: {  	[sflag:s3] =	ssyncset.done $0x0  }
0x17: {  	[sflag:s3] =	ssyncadd.s32 $0xFFFFCC00  }
0x18: {  	[tilespmem:s6], [sflag:$0x1] =	stream.indirect.gather [hbm4b:s5+s6], $0x1, s2, s6, $0xb8;
	[tilespmem:$0x8200] =	vst v63  }
0x19: {  	_ =	swait.ge [sflag:s7], $0x3400  }
0x1a: {  	[sflag:s7] =	ssyncset.done $0x0  }
0x1b: {  	s10 =	sadd.s32 s16, s10;
	[sflag:s7] =	ssyncadd.s32 $0xFFFFCC00  }
0x1c: {  	[hbm4b:s10+s2] =	stream.linear.scatter [tilespmem:s6], [sflag:$0x2], $0x3400, $0x38;
	[tilespmem:$0x8200] =	vst v63  }
0x1d: {  	_ =	swait.ge [sflag:s3], $0x3400  }
0x1e: {  	s12 =	sadd.s32 $0xD00, s15;
	[sflag:s3] =	ssyncset.done $0x0  }
0x1f: {  	s11 =	sadd.s32 s13, s12;
	[sflag:s3] =	ssyncadd.s32 $0xFFFFCC00  }
0x20: {  	[tilespmem:s2], [sflag:$0x2] =	stream.linear.gather [hbm4b:s11+s2], $0x3400, $0x38;
	[tilespmem:$0x8200] =	vst v63  }
0x21: {  	_ =	swait.ge [sflag:s3], $0x3400  }
0x22: {  	[sflag:s3] =	ssyncset.done $0x0  }
0x23: {  	[sflag:s3] =	ssyncadd.s32 $0xFFFFCC00  }
0x24: {  	[tilespmem:s6], [sflag:$0x1] =	stream.indirect.gather [hbm4b:s5+s6], $0x1, s2, s6, $0xb8;
	[tilespmem:$0x8200] =	vst v63  }
0x25: {  	_ =	swait.ge [sflag:s7], $0x3400  }
0x26: {  	[sflag:s7] =	ssyncset.done $0x0  }
0x27: {  	s12 =	sadd.s32 s16, s12;
	[sflag:s7] =	ssyncadd.s32 $0xFFFFCC00  }
0x28: {  	[hbm4b:s12+s2] =	stream.linear.scatter [tilespmem:s6], [sflag:$0x2], $0x3400, $0x38;
	[tilespmem:$0x8200] =	vst v63  }
0x29: {  	_ =	swait.ge [sflag:s3], $0x3400  }
0x2a: {  	s15 =	sadd.s32 $0x1380, s15;
	[sflag:s3] =	ssyncset.done $0x0  }
0x2b: {  	s13 =	sadd.s32 s13, s15;
	[sflag:s3] =	ssyncadd.s32 $0xFFFFCC00  }
0x2c: {  	[tilespmem:s2], [sflag:$0x2] =	stream.linear.gather [hbm4b:s13+s2], $0x3400, $0x38;
	[tilespmem:$0x8200] =	vst v63  }
0x2d: {  	_ =	swait.ge [sflag:s3], $0x3400  }
0x2e: {  	[sflag:s3] =	ssyncset.done $0x0  }
0x2f: {  	[sflag:s3] =	ssyncadd.s32 $0xFFFFCC00  }
0x30: {  	[tilespmem:s6], [sflag:$0x1] =	stream.indirect.gather [hbm4b:s5+s6], $0x1, s2, s6, $0xb8;
	[tilespmem:$0x8200] =	vst v63  }
0x31: {  	_ =	swait.ge [sflag:s7], $0x3400  }
0x32: {  	[sflag:s7] =	ssyncset.done $0x0  }
0x33: {  	s19 =	smul.u32 $0x1A0, s14;
	s14 =	sadd.s32 s16, s15;
	[sflag:s7] =	ssyncadd.s32 $0xFFFFCC00  }
0x34: {  	[hbm4b:s14+s2] =	stream.linear.scatter [tilespmem:s6], [sflag:$0x2], $0x3400, $0x38;
	[tilespmem:$0x8200] =	vst v63  }
0x35: {  	_ =	swait.ge [sflag:s3], $0x3400  }
0x36: {  	s21 =	ssub.s32 $0x2, s18;
	s20 =	sadd.s32 s19, s17;
	[sflag:s3] =	ssyncset.done $0x0  }
0x37: {  	s15 =	sadd.s32 $0x1400, s20;
	s16 =	simm.s32 $0x6800;
	[sflag:s3] =	ssyncadd.s32 $0xFFFFCC00  }
0x38: {  	[tilespmem:s16], [sflag:$0x2] =	stream.linear.gather [hbm4b:s15+s2], $0xD00, $0x38;
	[tilespmem:$0x8200] =	vst v63  }
0x39: {  	s18 =	simm.s32 $0xD00;
	s22 =	sshrl.u32 s21, $0x1;
	_ =	swait.ge [sflag:s3], $0xD00  }
0x3a: {  	s21 =	ssub.s32 s21, s22;
	s17 =	sadd.s32 $0x4800, s17;
	[sflag:s3] =	ssyncset.done $0x0  }
0x3b: {  	s19 =	simm.s32 $0x7500;
	s21 =	smax.u32 s21, $0x1;
	[sflag:s3] =	ssyncadd.s32 $0xFFFFF300  }
0x3c: {  	[tilespmem:s19], [sflag:$0x1] =	stream.indirect.gather [hbm4b:s17+s18], $0x1, s16, s18, $0xb8;
	[tilespmem:$0x8200] =	vst v63  }
0x3d: {  	p0 =	sne.s32 s21, $0x1;
	_ =	swait.ge [sflag:s7], $0xD00  }
.Ltmp0:
0x3e: {  	[sflag:s7] =	ssyncset.done $0x0;
	(pc) =	sbr.rel @!p0 .LBB2_2-.Ltmp0, $4  }
0x3f: {  	s20 =	sadd.s32 $0x87E00, s20;
	[sflag:s7] =	ssyncadd.s32 $0xFFFFF300  }
0x40: {  	[hbm4b:s20+s2] =	stream.linear.scatter [tilespmem:s19], [sflag:$0x2], $0xD00, $0x38;
	[tilespmem:$0x8200] =	vst v63  }
0x41: {  	_ =	swait.ge [sflag:s3], $0xD00  }
0x42: {  	s21 =	sadd.s32 $0xFFFFFFFF, s21;
	[sflag:s3] =	ssyncset.done $0x0  }
.LBB2_1:
0x43: {  	p0 =	sne.s32 s21, $0x1;
	s21 =	sadd.s32 $0xFFFFFFFF, s21;
	[sflag:s3] =	ssyncadd.s32 $0xFFFFF300  }
0x44: {  	[tilespmem:s2], [sflag:$0x2] =	stream.linear.gather [hbm4b:s4+s2], $0x3400, $0x38;
	[tilespmem:$0x8200] =	vst v63  }
0x45: {  	_ =	swait.ge [sflag:s3], $0x3400  }
0x46: {  	[sflag:s3] =	ssyncset.done $0x0  }
0x47: {  	[sflag:s3] =	ssyncadd.s32 $0xFFFFCC00  }
0x48: {  	[tilespmem:s6], [sflag:$0x1] =	stream.indirect.gather [hbm4b:s5+s6], $0x1, s2, s6, $0xb8;
	[tilespmem:$0x8200] =	vst v63  }
0x49: {  	_ =	swait.ge [sflag:s7], $0x3400  }
0x4a: {  	[sflag:s7] =	ssyncset.done $0x0  }
0x4b: {  	[sflag:s7] =	ssyncadd.s32 $0xFFFFCC00  }
0x4c: {  	[hbm4b:s8+s2] =	stream.linear.scatter [tilespmem:s6], [sflag:$0x2], $0x3400, $0x38;
	[tilespmem:$0x8200] =	vst v63  }
0x4d: {  	_ =	swait.ge [sflag:s3], $0x3400  }
0x4e: {  	[sflag:s3] =	ssyncset.done $0x0  }
0x4f: {  	[sflag:s3] =	ssyncadd.s32 $0xFFFFCC00  }
0x50: {  	[tilespmem:s2], [sflag:$0x2] =	stream.linear.gather [hbm4b:s9+s2], $0x3400, $0x38;
	[tilespmem:$0x8200] =	vst v63  }
0x51: {  	_ =	swait.ge [sflag:s3], $0x3400  }
0x52: {  	[sflag:s3] =	ssyncset.done $0x0  }
0x53: {  	[sflag:s3] =	ssyncadd.s32 $0xFFFFCC00  }
0x54: {  	[tilespmem:s6], [sflag:$0x1] =	stream.indirect.gather [hbm4b:s5+s6], $0x1, s2, s6, $0xb8;
	[tilespmem:$0x8200] =	vst v63  }
0x55: {  	_ =	swait.ge [sflag:s7], $0x3400  }
0x56: {  	[sflag:s7] =	ssyncset.done $0x0  }
0x57: {  	[sflag:s7] =	ssyncadd.s32 $0xFFFFCC00  }
0x58: {  	[hbm4b:s10+s2] =	stream.linear.scatter [tilespmem:s6], [sflag:$0x2], $0x3400, $0x38;
	[tilespmem:$0x8200] =	vst v63  }
0x59: {  	_ =	swait.ge [sflag:s3], $0x3400  }
0x5a: {  	[sflag:s3] =	ssyncset.done $0x0  }
0x5b: {  	[sflag:s3] =	ssyncadd.s32 $0xFFFFCC00  }
0x5c: {  	[tilespmem:s2], [sflag:$0x2] =	stream.linear.gather [hbm4b:s11+s2], $0x3400, $0x38;
	[tilespmem:$0x8200] =	vst v63  }
0x5d: {  	_ =	swait.ge [sflag:s3], $0x3400  }
0x5e: {  	[sflag:s3] =	ssyncset.done $0x0  }
0x5f: {  	[sflag:s3] =	ssyncadd.s32 $0xFFFFCC00  }
0x60: {  	[tilespmem:s6], [sflag:$0x1] =	stream.indirect.gather [hbm4b:s5+s6], $0x1, s2, s6, $0xb8;
	[tilespmem:$0x8200] =	vst v63  }
0x61: {  	_ =	swait.ge [sflag:s7], $0x3400  }
0x62: {  	[sflag:s7] =	ssyncset.done $0x0  }
0x63: {  	[sflag:s7] =	ssyncadd.s32 $0xFFFFCC00  }
0x64: {  	[hbm4b:s12+s2] =	stream.linear.scatter [tilespmem:s6], [sflag:$0x2], $0x3400, $0x38;
	[tilespmem:$0x8200] =	vst v63  }
0x65: {  	_ =	swait.ge [sflag:s3], $0x3400  }
0x66: {  	[sflag:s3] =	ssyncset.done $0x0  }
0x67: {  	[sflag:s3] =	ssyncadd.s32 $0xFFFFCC00  }
0x68: {  	[tilespmem:s2], [sflag:$0x2] =	stream.linear.gather [hbm4b:s13+s2], $0x3400, $0x38;
	[tilespmem:$0x8200] =	vst v63  }
0x69: {  	_ =	swait.ge [sflag:s3], $0x3400  }
0x6a: {  	[sflag:s3] =	ssyncset.done $0x0  }
0x6b: {  	[sflag:s3] =	ssyncadd.s32 $0xFFFFCC00  }
0x6c: {  	[tilespmem:s6], [sflag:$0x1] =	stream.indirect.gather [hbm4b:s5+s6], $0x1, s2, s6, $0xb8;
	[tilespmem:$0x8200] =	vst v63  }
0x6d: {  	_ =	swait.ge [sflag:s7], $0x3400  }
0x6e: {  	[sflag:s7] =	ssyncset.done $0x0  }
0x6f: {  	[sflag:s7] =	ssyncadd.s32 $0xFFFFCC00  }
0x70: {  	[hbm4b:s14+s2] =	stream.linear.scatter [tilespmem:s6], [sflag:$0x2], $0x3400, $0x38;
	[tilespmem:$0x8200] =	vst v63  }
0x71: {  	_ =	swait.ge [sflag:s3], $0x3400  }
0x72: {  	[sflag:s3] =	ssyncset.done $0x0  }
0x73: {  	[sflag:s3] =	ssyncadd.s32 $0xFFFFCC00  }
0x74: {  	[tilespmem:s16], [sflag:$0x2] =	stream.linear.gather [hbm4b:s15+s2], $0xD00, $0x38;
	[tilespmem:$0x8200] =	vst v63  }
0x75: {  	_ =	swait.ge [sflag:s3], $0xD00  }
0x76: {  	[sflag:s3] =	ssyncset.done $0x0  }
0x77: {  	[sflag:s3] =	ssyncadd.s32 $0xFFFFF300  }
0x78: {  	[tilespmem:s19], [sflag:$0x1] =	stream.indirect.gather [hbm4b:s17+s18], $0x1, s16, s18, $0xb8;
	[tilespmem:$0x8200] =	vst v63  }
0x79: {  	_ =	swait.ge [sflag:s7], $0xD00  }
.Ltmp1:
0x7a: {  	[sflag:s7] =	ssyncset.done $0x0;
	(pc) =	sbr.rel @p0 .LBB2_1-.Ltmp1, $4  }
0x7b: {  	[sflag:s7] =	ssyncadd.s32 $0xFFFFF300  }
0x7c: {  	[hbm4b:s20+s2] =	stream.linear.scatter [tilespmem:s19], [sflag:$0x2], $0xD00, $0x38;
	[tilespmem:$0x8200] =	vst v63  }
0x7d: {  	_ =	swait.ge [sflag:s3], $0xD00  }
0x7e: {  	[sflag:s3] =	ssyncset.done $0x0  }
.LBB2_2:
0x7f: {  	[sflag:s3] =	ssyncadd.s32 $0xFFFFF300  }
0x80: {  	_ =	sfence.sel $0x180000  }
0x81: {  	[bflag:$0x0] =	sbarrier.arrive $0xFFFF  }
0x82: {  	p0 =	sne.s32 s0, $0x0;
	_ =	strace $0x90000047  }
0x83: {  	s0 =	sadd.s32 @!p0 $0x100000, s1;
	[bflag:$0x2] =	sbarrier.arrive $0xFFFF  }
0x84: {  	[sflag:s0] =	ssyncadd.tile.s32 @!p0 $0x1;
	_ =	shalt  }
.Lfunc_end2:
_tile_overlayer_lowered:
.L_overlay_start_2:
0x85: {  	(tag) =	ssettag $0x2  }
0x86: {  	s0 =	rddreg [dreg:$0x0];
	s2 =	stileid.u32  }
0x87: {  	s1 =	rddreg [dreg:$0x1];
	p0 =	sne.s32 s2, $0x0  }
0x88: {  	s3 =	rddreg [dreg:$0x2];
	[bflag:$0x3] =	sbarrier.arrive $0xFFFF;
	s2 =	simm.s32 @!p0 $0x1C02  }
0x89: {  	[timem:s3], [sflag:s2] =	dma.local @!p0 [hbm:s0], s1  }
0x8a: {  	s0 =	simm.s32 @!p0 $0x2  }
0x8b: {  	_ =	swait.ge @!p0 [sflag:s0], s1  }
0x8c: {  	s1 =	ssub.s32 @!p0 $0x0, s1;
	[sflag:s0] =	ssyncset.done @!p0 $0x0  }
0x8d: {  	[sflag:s0] =	ssyncadd.s32 @!p0 s1  }
0x8e: {  	[bflag:$0x3] =	sbarrier.arrive $0xFFFF  }
0x8f: {  	_ =	shalt  }

</sc_bundles>
